<compile_context>
chip_gen: v7x
topology: tpu7x:2x2x1
jax: 0.10.2.dev20260603
libtpu: 0.0.44.dev20260713+nightly
codegen_flags: <defaults>
</compile_context>

<pallas_src>
import functools

import jax
import jax.numpy as jnp
from jax import lax
from jax.experimental import pallas as pl
from jax.experimental.pallas import tpu as pltpu
from jax.experimental.pallas import tpu_sc as plsc

_NC = 2
_NS = 16
_NW = _NC * _NS
_L = 16
_CH = 8192


def _sc_body(x_hbm, y_hbm, thr_hbm, ax_hbm, ct_hbm, dly_hbm, slw_hbm,
             xv, yv, dv, sv, thrv, axv, ctv):
    per_w = x_hbm.shape[0] // _NW
    n_ch = per_w // _CH
    wid = lax.axis_index("s") * _NC + lax.axis_index("c")
    base = wid * per_w

    pltpu.sync_copy(thr_hbm, thrv)
    pltpu.sync_copy(ax_hbm, axv)
    pltpu.sync_copy(ct_hbm, ctv)

    t0 = [thrv[k] for k in range(7)]
    t1 = [thrv[8 + k] for k in range(7)]
    kconst = [jnp.full((_L,), k, jnp.int32) for k in range(1, 8)]
    six = jnp.full((_L,), 6, jnp.int32)

    def chunk(ci, carry):
        off = base + ci * _CH
        pltpu.sync_copy(x_hbm.at[pl.ds(off, _CH)], xv)
        pltpu.sync_copy(y_hbm.at[pl.ds(off, _CH)], yv)

        def vec(vi, carry2):
            o = vi * _L
            x = xv[pl.ds(o, _L)]
            y = yv[pl.ds(o, _L)]
            i0 = jnp.zeros((_L,), jnp.int32)
            j0 = jnp.zeros((_L,), jnp.int32)
            for k in range(7):
                i0 = jnp.where(x >= t0[k], kconst[k], i0)
                j0 = jnp.where(y >= t1[k], kconst[k], j0)
            i0 = jnp.minimum(i0, six)
            j0 = jnp.minimum(j0, six)
            x0 = plsc.load_gather(axv, [i0])
            r0 = plsc.load_gather(axv, [i0 + 8])
            y0 = plsc.load_gather(axv, [j0 + 16])
            r1 = plsc.load_gather(axv, [j0 + 24])
            a = (x - x0) * r0
            b = (y - y0) * r1
            ab = a * b
            cell = i0 * 8 + j0
            d = plsc.load_gather(ctv, [cell])
            d = d + a * plsc.load_gather(ctv, [cell + 64])
            d = d + b * plsc.load_gather(ctv, [cell + 128])
            d = d + ab * plsc.load_gather(ctv, [cell + 192])
            s = plsc.load_gather(ctv, [cell + 256])
            s = s + a * plsc.load_gather(ctv, [cell + 320])
            s = s + b * plsc.load_gather(ctv, [cell + 384])
            s = s + ab * plsc.load_gather(ctv, [cell + 448])
            dv[pl.ds(o, _L)] = d
            sv[pl.ds(o, _L)] = s
            return carry2

        lax.fori_loop(0, _CH // _L, vec, 0)
        pltpu.sync_copy(dv, dly_hbm.at[pl.ds(off, _CH)])
        pltpu.sync_copy(sv, slw_hbm.at[pl.ds(off, _CH)])
        return carry

    lax.fori_loop(0, n_ch, chunk, 0)


def _coef_tables(tab):
    c0 = tab[:-1, :-1]
    ca = tab[1:, :-1] - tab[:-1, :-1]
    cb = tab[:-1, 1:] - tab[:-1, :-1]
    cab = tab[1:, 1:] - tab[1:, :-1] - tab[:-1, 1:] + tab[:-1, :-1]
    pad = lambda c: jnp.pad(c, ((0, 1), (0, 1))).reshape(-1)
    return [pad(c) for c in (c0, ca, cb, cab)]


def kernel(in_slew, load, axis_0, axis_1, delay_table, slew_table):
    M = in_slew.shape[0]
    eps = 1e-30

    def recip(axis):
        d = axis[1:] - axis[:-1]
        r = jnp.where(jnp.abs(d) > eps, 1.0 / (d + eps), jnp.zeros_like(d))
        return jnp.pad(r, (0, 1)).astype(jnp.float32)

    ax = jnp.concatenate(
        [axis_0, recip(axis_0), axis_1, recip(axis_1),
         jnp.zeros((96,), jnp.float32)]).astype(jnp.float32)
    ct = jnp.concatenate(
        _coef_tables(delay_table) + _coef_tables(slew_table)).astype(jnp.float32)
    thr = jnp.zeros((16, _L), jnp.float32)
    thr = thr.at[0:7].set(axis_0[1:8, None])
    thr = thr.at[8:15].set(axis_1[1:8, None])

    blk = _NW * _CH
    Mp = -(-M // blk) * blk
    x = in_slew.astype(jnp.float32)
    y = load.astype(jnp.float32)
    if Mp != M:
        x = jnp.pad(x, (0, Mp - M))
        y = jnp.pad(y, (0, Mp - M))

    mesh = plsc.VectorSubcoreMesh(core_axis_name="c", subcore_axis_name="s")
    out = jax.ShapeDtypeStruct((Mp,), jnp.float32)
    kfn = pl.kernel(
        _sc_body,
        mesh=mesh,
        out_type=(out, out),
        compiler_params=pltpu.CompilerParams(needs_layout_passes=False),
        scratch_types=[
            pltpu.VMEM((_CH,), jnp.float32),
            pltpu.VMEM((_CH,), jnp.float32),
            pltpu.VMEM((_CH,), jnp.float32),
            pltpu.VMEM((_CH,), jnp.float32),
            pltpu.VMEM((16, _L), jnp.float32),
            pltpu.VMEM((128,), jnp.float32),
            pltpu.VMEM((512,), jnp.float32),
        ],
    )
    delay, slew = kfn(x, y, thr, ax, ct)
    if Mp != M:
        delay = delay[:M]
        slew = slew[:M]
    return delay, slew

# --- scband reference (transcript-rebuilt; emitter-appended) ---
"""Pipeline reference for scband-tensor-table-1211180778107 (READ-ONLY COPY).

The authoritative reference and input builder live on the scoring server;
editing this copy changes nothing except your own understanding.
"""

import jax, jax.numpy as jnp
import numpy as np


def setup_inputs(seed: int = 0) -> dict:
    key = jax.random.key(seed)
    k1, k2 = jax.random.split(key)
    M = 4194304
    axis_0 = jnp.array([0.005, 0.01, 0.02, 0.04, 0.08, 0.16, 0.32, 0.64], dtype=jnp.float32)
    axis_1 = jnp.array([0.001, 0.002, 0.004, 0.008, 0.016, 0.032, 0.064, 0.128], dtype=jnp.float32)
    delay_table = (0.01 + 0.5 * axis_0[:, None] + 3.0 * axis_1[None, :]).astype(jnp.float32)
    slew_table = (0.02 + 0.8 * axis_0[:, None] + 2.0 * axis_1[None, :]).astype(jnp.float32)
    in_slew = jax.random.uniform(k1, (M,), dtype=jnp.float32) * 0.64
    load = jax.random.uniform(k2, (M,), dtype=jnp.float32) * 0.128
    return {"in_slew": in_slew, "load": load, "axis_0": axis_0, "axis_1": axis_1,
            "delay_table": delay_table, "slew_table": slew_table}


def _axis_interval(axis, x):
    # axis: [K] monotonically increasing, x: [M]
    eps = 1e-30
    i = jnp.sum((x[:, None] >= axis[None, 1:]).astype(jnp.int32), axis=-1)
    i0 = jnp.clip(i, 0, axis.shape[0] - 2)
    i1 = i0 + 1
    x0 = jnp.take(axis, i0)
    x1 = jnp.take(axis, i1)
    denom = x1 - x0
    t = jnp.where(jnp.abs(denom) > eps, (x - x0) / (denom + eps), jnp.zeros_like(x))
    return i0, t


def _bilinear_interp_batch(table, axis_row, axis_col, row_val, col_val):
    # table: [K0, K1] (shared across batch), row_val/col_val: [M] -> [M]
    i0, a = _axis_interval(axis_row, row_val)
    j0, b = _axis_interval(axis_col, col_val)
    i1 = i0 + 1
    j1 = j0 + 1
    v00 = table[i0, j0]
    v01 = table[i0, j1]
    v10 = table[i1, j0]
    v11 = table[i1, j1]
    return (1 - a) * (1 - b) * v00 + (1 - a) * b * v01 + a * (1 - b) * v10 + a * b * v11


def reference(in_slew, load, axis_0, axis_1, delay_table, slew_table):
    # Faithful translation of TensorTable.lookup_delay / lookup_slew
    delay = _bilinear_interp_batch(delay_table, axis_0, axis_1, in_slew, load)
    slew = _bilinear_interp_batch(slew_table, axis_0, axis_1, in_slew, load)
    return delay, slew

if __name__ == "__main__":
    import jax
    _d = setup_inputs()
    print(jax.jit(kernel)(*tuple(_d.values())))

</pallas_src>

<mosaic_0001>
#map = affine_map<(d0, d1) -> (0)>
#map1 = affine_map<(d0, d1) -> (0, 0)>
module attributes {stable_mosaic.version = 14 : i64} {
  func.func @_sc_body(%arg0: i32, %arg1: i32, %arg2: memref<4194304xf32, #tpu.memory_space<hbm>>, %arg3: memref<4194304xf32, #tpu.memory_space<hbm>>, %arg4: memref<16x16xf32, #tpu.memory_space<hbm>>, %arg5: memref<128xf32, #tpu.memory_space<hbm>>, %arg6: memref<512xf32, #tpu.memory_space<hbm>>, %arg7: memref<4194304xf32, #tpu.memory_space<hbm>>, %arg8: memref<4194304xf32, #tpu.memory_space<hbm>>, %arg9: memref<8192xf32, #tpu.memory_space<vmem>>, %arg10: memref<8192xf32, #tpu.memory_space<vmem>>, %arg11: memref<8192xf32, #tpu.memory_space<vmem>>, %arg12: memref<8192xf32, #tpu.memory_space<vmem>>, %arg13: memref<16x16xf32, #tpu.memory_space<vmem>>, %arg14: memref<128xf32, #tpu.memory_space<vmem>>, %arg15: memref<512xf32, #tpu.memory_space<vmem>>) attributes {dimension_semantics = [#tpu.dimension_semantics<core_parallel>, #tpu.dimension_semantics<subcore_parallel>], iteration_bounds = array<i64: 2, 16>, scalar_prefetch = 0 : i64, scratch_operands = 7 : i64, tpu.core_type = #tpu.core_type<sc_vector_subcore>, window_params = [{transform_indices = #map}, {transform_indices = #map}, {transform_indices = #map1}, {transform_indices = #map}, {transform_indices = #map}, {transform_indices = #map}, {transform_indices = #map}]} {
    %mul3A = arith.constant 2 : i32
    %mul3A_0 = arith.muli %arg1, %mul3A : i32
    %add3A = arith.addi %mul3A_0, %arg0 : i32
    %mul3A_1 = arith.constant 131072 : i32
    %mul3A_2 = arith.muli %add3A, %mul3A_1 : i32
    "tpu.region"() ({
      %run_scoped3A = tpu.sem_alloc : memref<!tpu.dma_semaphore, #tpu.memory_space<semaphore_mem>>
      tpu.enqueue_dma source(%arg4 : memref<16x16xf32, #tpu.memory_space<hbm>>) target(%arg13 : memref<16x16xf32, #tpu.memory_space<vmem>>) target_semaphore(%run_scoped3A : memref<!tpu.dma_semaphore, #tpu.memory_space<semaphore_mem>>)
      tpu.wait_dma2 semaphore(%run_scoped3A : memref<!tpu.dma_semaphore, #tpu.memory_space<semaphore_mem>>) src(%arg4 : memref<16x16xf32, #tpu.memory_space<hbm>>) dst(%arg13 : memref<16x16xf32, #tpu.memory_space<vmem>>)
      tpu.yield
    }) : () -> ()
    "tpu.region"() ({
      %run_scoped3A = tpu.sem_alloc : memref<!tpu.dma_semaphore, #tpu.memory_space<semaphore_mem>>
      tpu.enqueue_dma source(%arg5 : memref<128xf32, #tpu.memory_space<hbm>>) target(%arg14 : memref<128xf32, #tpu.memory_space<vmem>>) target_semaphore(%run_scoped3A : memref<!tpu.dma_semaphore, #tpu.memory_space<semaphore_mem>>)
      tpu.wait_dma2 semaphore(%run_scoped3A : memref<!tpu.dma_semaphore, #tpu.memory_space<semaphore_mem>>) src(%arg5 : memref<128xf32, #tpu.memory_space<hbm>>) dst(%arg14 : memref<128xf32, #tpu.memory_space<vmem>>)
      tpu.yield
    }) : () -> ()
    "tpu.region"() ({
      %run_scoped3A = tpu.sem_alloc : memref<!tpu.dma_semaphore, #tpu.memory_space<semaphore_mem>>
      tpu.enqueue_dma source(%arg6 : memref<512xf32, #tpu.memory_space<hbm>>) target(%arg15 : memref<512xf32, #tpu.memory_space<vmem>>) target_semaphore(%run_scoped3A : memref<!tpu.dma_semaphore, #tpu.memory_space<semaphore_mem>>)
      tpu.wait_dma2 semaphore(%run_scoped3A : memref<!tpu.dma_semaphore, #tpu.memory_space<semaphore_mem>>) src(%arg6 : memref<512xf32, #tpu.memory_space<hbm>>) dst(%arg15 : memref<512xf32, #tpu.memory_space<vmem>>)
      tpu.yield
    }) : () -> ()
    %get3A = arith.constant 0 : i32
    %get3A_3 = arith.index_cast %get3A : i32 to index
    %get3A_4 = arith.constant 0 : index
    %get3A_5 = tpu.vector_load %arg13[%get3A_3, %get3A_4] {strides = array<i32>} : memref<16x16xf32, #tpu.memory_space<vmem>>, vector<16xf32>,
    %get3A_6 = arith.constant 1 : i32
    %get3A_7 = arith.index_cast %get3A_6 : i32 to index
    %get3A_8 = arith.constant 0 : index
    %get3A_9 = tpu.vector_load %arg13[%get3A_7, %get3A_8] {strides = array<i32>} : memref<16x16xf32, #tpu.memory_space<vmem>>, vector<16xf32>,
    %get3A_10 = arith.constant 2 : i32
    %get3A_11 = arith.index_cast %get3A_10 : i32 to index
    %get3A_12 = arith.constant 0 : index
    %get3A_13 = tpu.vector_load %arg13[%get3A_11, %get3A_12] {strides = array<i32>} : memref<16x16xf32, #tpu.memory_space<vmem>>, vector<16xf32>,
    %get3A_14 = arith.constant 3 : i32
    %get3A_15 = arith.index_cast %get3A_14 : i32 to index
    %get3A_16 = arith.constant 0 : index
    %get3A_17 = tpu.vector_load %arg13[%get3A_15, %get3A_16] {strides = array<i32>} : memref<16x16xf32, #tpu.memory_space<vmem>>, vector<16xf32>,
    %get3A_18 = arith.constant 4 : i32
    %get3A_19 = arith.index_cast %get3A_18 : i32 to index
    %get3A_20 = arith.constant 0 : index
    %get3A_21 = tpu.vector_load %arg13[%get3A_19, %get3A_20] {strides = array<i32>} : memref<16x16xf32, #tpu.memory_space<vmem>>, vector<16xf32>,
    %get3A_22 = arith.constant 5 : i32
    %get3A_23 = arith.index_cast %get3A_22 : i32 to index
    %get3A_24 = arith.constant 0 : index
    %get3A_25 = tpu.vector_load %arg13[%get3A_23, %get3A_24] {strides = array<i32>} : memref<16x16xf32, #tpu.memory_space<vmem>>, vector<16xf32>,
    %get3A_26 = arith.constant 6 : i32
    %get3A_27 = arith.index_cast %get3A_26 : i32 to index
    %get3A_28 = arith.constant 0 : index
    %get3A_29 = tpu.vector_load %arg13[%get3A_27, %get3A_28] {strides = array<i32>} : memref<16x16xf32, #tpu.memory_space<vmem>>, vector<16xf32>,
    %get3A_30 = arith.constant 8 : i32
    %get3A_31 = arith.index_cast %get3A_30 : i32 to index
    %get3A_32 = arith.constant 0 : index
    %get3A_33 = tpu.vector_load %arg13[%get3A_31, %get3A_32] {strides = array<i32>} : memref<16x16xf32, #tpu.memory_space<vmem>>, vector<16xf32>,
    %get3A_34 = arith.constant 9 : i32
    %get3A_35 = arith.index_cast %get3A_34 : i32 to index
    %get3A_36 = arith.constant 0 : index
    %get3A_37 = tpu.vector_load %arg13[%get3A_35, %get3A_36] {strides = array<i32>} : memref<16x16xf32, #tpu.memory_space<vmem>>, vector<16xf32>,
    %get3A_38 = arith.constant 10 : i32
    %get3A_39 = arith.index_cast %get3A_38 : i32 to index
    %get3A_40 = arith.constant 0 : index
    %get3A_41 = tpu.vector_load %arg13[%get3A_39, %get3A_40] {strides = array<i32>} : memref<16x16xf32, #tpu.memory_space<vmem>>, vector<16xf32>,
    %get3A_42 = arith.constant 11 : i32
    %get3A_43 = arith.index_cast %get3A_42 : i32 to index
    %get3A_44 = arith.constant 0 : index
    %get3A_45 = tpu.vector_load %arg13[%get3A_43, %get3A_44] {strides = array<i32>} : memref<16x16xf32, #tpu.memory_space<vmem>>, vector<16xf32>,
    %get3A_46 = arith.constant 12 : i32
    %get3A_47 = arith.index_cast %get3A_46 : i32 to index
    %get3A_48 = arith.constant 0 : index
    %get3A_49 = tpu.vector_load %arg13[%get3A_47, %get3A_48] {strides = array<i32>} : memref<16x16xf32, #tpu.memory_space<vmem>>, vector<16xf32>,
    %get3A_50 = arith.constant 13 : i32
    %get3A_51 = arith.index_cast %get3A_50 : i32 to index
    %get3A_52 = arith.constant 0 : index
    %get3A_53 = tpu.vector_load %arg13[%get3A_51, %get3A_52] {strides = array<i32>} : memref<16x16xf32, #tpu.memory_space<vmem>>, vector<16xf32>,
    %get3A_54 = arith.constant 14 : i32
    %get3A_55 = arith.index_cast %get3A_54 : i32 to index
    %get3A_56 = arith.constant 0 : index
    %get3A_57 = tpu.vector_load %arg13[%get3A_55, %get3A_56] {strides = array<i32>} : memref<16x16xf32, #tpu.memory_space<vmem>>, vector<16xf32>,
    %broadcast_in_dim3A = arith.constant 1 : i32
    %broadcast_in_dim3A_58 = vector.broadcast %broadcast_in_dim3A : i32 to vector<16xi32>
    %broadcast_in_dim3A_59 = arith.constant 2 : i32
    %broadcast_in_dim3A_60 = vector.broadcast %broadcast_in_dim3A_59 : i32 to vector<16xi32>
    %broadcast_in_dim3A_61 = arith.constant 3 : i32
    %broadcast_in_dim3A_62 = vector.broadcast %broadcast_in_dim3A_61 : i32 to vector<16xi32>
    %broadcast_in_dim3A_63 = arith.constant 4 : i32
    %broadcast_in_dim3A_64 = vector.broadcast %broadcast_in_dim3A_63 : i32 to vector<16xi32>
    %broadcast_in_dim3A_65 = arith.constant 5 : i32
    %broadcast_in_dim3A_66 = vector.broadcast %broadcast_in_dim3A_65 : i32 to vector<16xi32>
    %broadcast_in_dim3A_67 = arith.constant 6 : i32
    %broadcast_in_dim3A_68 = vector.broadcast %broadcast_in_dim3A_67 : i32 to vector<16xi32>
    %broadcast_in_dim3A_69 = arith.constant 7 : i32
    %broadcast_in_dim3A_70 = vector.broadcast %broadcast_in_dim3A_69 : i32 to vector<16xi32>
    %broadcast_in_dim3A_71 = arith.constant 6 : i32
    %broadcast_in_dim3A_72 = vector.broadcast %broadcast_in_dim3A_71 : i32 to vector<16xi32>
    %scan3A = arith.constant 0 : i32
    %scan3A_73 = arith.constant 0 : i32
    %scan3A_74 = arith.constant 16 : i32
    %scan3A_75 = arith.addi %scan3A_73, %scan3A_74 : i32
    %scan3A_76 = arith.constant 1 : i32
    scf.for %scan3A_78 = %scan3A_73 to %scan3A_75 step %scan3A_76  : i32 {
      %mul3A_79 = arith.constant 8192 : i32
      %mul3A_80 = arith.muli %scan3A_78, %mul3A_79 : i32
      %add3A_81 = arith.addi %mul3A_2, %mul3A_80 : i32
      "tpu.region"() ({
        %run_scoped3A = tpu.sem_alloc : memref<!tpu.dma_semaphore, #tpu.memory_space<semaphore_mem>>
        %dma_start3A = tpu.memref_slice %arg2[%add3A_81] : memref<4194304xf32, #tpu.memory_space<hbm>> -> memref<8192xf32, #tpu.memory_space<hbm>>
        %dma_start3A_88 = tpu.memref_slice %arg2[%add3A_81] : memref<4194304xf32, #tpu.memory_space<hbm>> -> memref<8192xf32, #tpu.memory_space<hbm>>
        tpu.enqueue_dma source(%dma_start3A_88 : memref<8192xf32, #tpu.memory_space<hbm>>) target(%arg9 : memref<8192xf32, #tpu.memory_space<vmem>>) target_semaphore(%run_scoped3A : memref<!tpu.dma_semaphore, #tpu.memory_space<semaphore_mem>>)
        %dma_wait3A = tpu.memref_slice %arg2[%add3A_81] : memref<4194304xf32, #tpu.memory_space<hbm>> -> memref<8192xf32, #tpu.memory_space<hbm>>
        %dma_wait3A_89 = tpu.memref_slice %arg2[%add3A_81] : memref<4194304xf32, #tpu.memory_space<hbm>> -> memref<8192xf32, #tpu.memory_space<hbm>>
        tpu.wait_dma2 semaphore(%run_scoped3A : memref<!tpu.dma_semaphore, #tpu.memory_space<semaphore_mem>>) src(%dma_wait3A_89 : memref<8192xf32, #tpu.memory_space<hbm>>) dst(%arg9 : memref<8192xf32, #tpu.memory_space<vmem>>)
        tpu.yield
      }) : () -> ()
      "tpu.region"() ({
        %run_scoped3A = tpu.sem_alloc : memref<!tpu.dma_semaphore, #tpu.memory_space<semaphore_mem>>
        %dma_start3A = tpu.memref_slice %arg3[%add3A_81] : memref<4194304xf32, #tpu.memory_space<hbm>> -> memref<8192xf32, #tpu.memory_space<hbm>>
        %dma_start3A_88 = tpu.memref_slice %arg3[%add3A_81] : memref<4194304xf32, #tpu.memory_space<hbm>> -> memref<8192xf32, #tpu.memory_space<hbm>>
        tpu.enqueue_dma source(%dma_start3A_88 : memref<8192xf32, #tpu.memory_space<hbm>>) target(%arg10 : memref<8192xf32, #tpu.memory_space<vmem>>) target_semaphore(%run_scoped3A : memref<!tpu.dma_semaphore, #tpu.memory_space<semaphore_mem>>)
        %dma_wait3A = tpu.memref_slice %arg3[%add3A_81] : memref<4194304xf32, #tpu.memory_space<hbm>> -> memref<8192xf32, #tpu.memory_space<hbm>>
        %dma_wait3A_89 = tpu.memref_slice %arg3[%add3A_81] : memref<4194304xf32, #tpu.memory_space<hbm>> -> memref<8192xf32, #tpu.memory_space<hbm>>
        tpu.wait_dma2 semaphore(%run_scoped3A : memref<!tpu.dma_semaphore, #tpu.memory_space<semaphore_mem>>) src(%dma_wait3A_89 : memref<8192xf32, #tpu.memory_space<hbm>>) dst(%arg10 : memref<8192xf32, #tpu.memory_space<vmem>>)
        tpu.yield
      }) : () -> ()
      %scan3A_82 = arith.constant 0 : i32
      %scan3A_83 = arith.constant 0 : i32
      %scan3A_84 = arith.constant 512 : i32
      %scan3A_85 = arith.addi %scan3A_83, %scan3A_84 : i32
      %scan3A_86 = arith.constant 1 : i32
      scf.for %scan3A_88 = %scan3A_83 to %scan3A_85 step %scan3A_86  : i32 {
        %mul3A_89 = arith.constant 16 : i32
        %mul3A_90 = arith.muli %scan3A_88, %mul3A_89 : i32
        %get3A_91 = arith.index_cast %mul3A_90 : i32 to index
        %get3A_92 = tpu.vector_load %arg9[%get3A_91] {strides = array<i32>} : memref<8192xf32, #tpu.memory_space<vmem>>, vector<16xf32>,
        %get3A_93 = arith.index_cast %mul3A_90 : i32 to index
        %get3A_94 = tpu.vector_load %arg10[%get3A_93] {strides = array<i32>} : memref<8192xf32, #tpu.memory_space<vmem>>, vector<16xf32>,
        %broadcast_in_dim3A_95 = arith.constant 0 : i32
        %broadcast_in_dim3A_96 = vector.broadcast %broadcast_in_dim3A_95 : i32 to vector<16xi32>
        %broadcast_in_dim3A_97 = arith.constant 0 : i32
        %broadcast_in_dim3A_98 = vector.broadcast %broadcast_in_dim3A_97 : i32 to vector<16xi32>
        %ge3A = arith.cmpf oge, %get3A_92, %get3A_5 : vector<16xf32>
        %select_n3A = arith.select %ge3A, %broadcast_in_dim3A_58, %broadcast_in_dim3A_96 : vector<16xi1>, vector<16xi32>
        %ge3A_99 = arith.cmpf oge, %get3A_94, %get3A_33 : vector<16xf32>
        %select_n3A_100 = arith.select %ge3A_99, %broadcast_in_dim3A_58, %broadcast_in_dim3A_98 : vector<16xi1>, vector<16xi32>
        %ge3A_101 = arith.cmpf oge, %get3A_92, %get3A_9 : vector<16xf32>
        %select_n3A_102 = arith.select %ge3A_101, %broadcast_in_dim3A_60, %select_n3A : vector<16xi1>, vector<16xi32>
        %ge3A_103 = arith.cmpf oge, %get3A_94, %get3A_37 : vector<16xf32>
        %select_n3A_104 = arith.select %ge3A_103, %broadcast_in_dim3A_60, %select_n3A_100 : vector<16xi1>, vector<16xi32>
        %ge3A_105 = arith.cmpf oge, %get3A_92, %get3A_13 : vector<16xf32>
        %select_n3A_106 = arith.select %ge3A_105, %broadcast_in_dim3A_62, %select_n3A_102 : vector<16xi1>, vector<16xi32>
        %ge3A_107 = arith.cmpf oge, %get3A_94, %get3A_41 : vector<16xf32>
        %select_n3A_108 = arith.select %ge3A_107, %broadcast_in_dim3A_62, %select_n3A_104 : vector<16xi1>, vector<16xi32>
        %ge3A_109 = arith.cmpf oge, %get3A_92, %get3A_17 : vector<16xf32>
        %select_n3A_110 = arith.select %ge3A_109, %broadcast_in_dim3A_64, %select_n3A_106 : vector<16xi1>, vector<16xi32>
        %ge3A_111 = arith.cmpf oge, %get3A_94, %get3A_45 : vector<16xf32>
        %select_n3A_112 = arith.select %ge3A_111, %broadcast_in_dim3A_64, %select_n3A_108 : vector<16xi1>, vector<16xi32>
        %ge3A_113 = arith.cmpf oge, %get3A_92, %get3A_21 : vector<16xf32>
        %select_n3A_114 = arith.select %ge3A_113, %broadcast_in_dim3A_66, %select_n3A_110 : vector<16xi1>, vector<16xi32>
        %ge3A_115 = arith.cmpf oge, %get3A_94, %get3A_49 : vector<16xf32>
        %select_n3A_116 = arith.select %ge3A_115, %broadcast_in_dim3A_66, %select_n3A_112 : vector<16xi1>, vector<16xi32>
        %ge3A_117 = arith.cmpf oge, %get3A_92, %get3A_25 : vector<16xf32>
        %select_n3A_118 = arith.select %ge3A_117, %broadcast_in_dim3A_68, %select_n3A_114 : vector<16xi1>, vector<16xi32>
        %ge3A_119 = arith.cmpf oge, %get3A_94, %get3A_53 : vector<16xf32>
        %select_n3A_120 = arith.select %ge3A_119, %broadcast_in_dim3A_68, %select_n3A_116 : vector<16xi1>, vector<16xi32>
        %ge3A_121 = arith.cmpf oge, %get3A_92, %get3A_29 : vector<16xf32>
        %select_n3A_122 = arith.select %ge3A_121, %broadcast_in_dim3A_70, %select_n3A_118 : vector<16xi1>, vector<16xi32>
        %ge3A_123 = arith.cmpf oge, %get3A_94, %get3A_57 : vector<16xf32>
        %select_n3A_124 = arith.select %ge3A_123, %broadcast_in_dim3A_70, %select_n3A_120 : vector<16xi1>, vector<16xi32>
        %min3A = arith.minsi %select_n3A_122, %broadcast_in_dim3A_72 : vector<16xi32>
        %min3A_125 = arith.minsi %select_n3A_124, %broadcast_in_dim3A_72 : vector<16xi32>
        %gather3A = tpu.vector_load_idx %arg14[%min3A] : memref<128xf32, #tpu.memory_space<vmem>>[vector<16xi32>], vector<16xf32>,
        %add3A_126 = arith.constant 8 : i32
        %add3A_127 = vector.broadcast %add3A_126 : i32 to vector<16xi32>
        %add3A_128 = arith.addi %min3A, %add3A_127 : vector<16xi32>
        %gather3A_129 = tpu.vector_load_idx %arg14[%add3A_128] : memref<128xf32, #tpu.memory_space<vmem>>[vector<16xi32>], vector<16xf32>,
        %add3A_130 = arith.constant 16 : i32
        %add3A_131 = vector.broadcast %add3A_130 : i32 to vector<16xi32>
        %add3A_132 = arith.addi %min3A_125, %add3A_131 : vector<16xi32>
        %gather3A_133 = tpu.vector_load_idx %arg14[%add3A_132] : memref<128xf32, #tpu.memory_space<vmem>>[vector<16xi32>], vector<16xf32>,
        %add3A_134 = arith.constant 24 : i32
        %add3A_135 = vector.broadcast %add3A_134 : i32 to vector<16xi32>
        %add3A_136 = arith.addi %min3A_125, %add3A_135 : vector<16xi32>
        %gather3A_137 = tpu.vector_load_idx %arg14[%add3A_136] : memref<128xf32, #tpu.memory_space<vmem>>[vector<16xi32>], vector<16xf32>,
        %sub3A = arith.subf %get3A_92, %gather3A : vector<16xf32>
        %mul3A_138 = arith.mulf %sub3A, %gather3A_129 : vector<16xf32>
        %sub3A_139 = arith.subf %get3A_94, %gather3A_133 : vector<16xf32>
        %mul3A_140 = arith.mulf %sub3A_139, %gather3A_137 : vector<16xf32>
        %mul3A_141 = arith.mulf %mul3A_138, %mul3A_140 : vector<16xf32>
        %mul3A_142 = arith.constant 8 : i32
        %mul3A_143 = vector.broadcast %mul3A_142 : i32 to vector<16xi32>
        %mul3A_144 = arith.muli %min3A, %mul3A_143 : vector<16xi32>
        %add3A_145 = arith.addi %mul3A_144, %min3A_125 : vector<16xi32>
        %gather3A_146 = tpu.vector_load_idx %arg15[%add3A_145] : memref<512xf32, #tpu.memory_space<vmem>>[vector<16xi32>], vector<16xf32>,
        %add3A_147 = arith.constant 64 : i32
        %add3A_148 = vector.broadcast %add3A_147 : i32 to vector<16xi32>
        %add3A_149 = arith.addi %add3A_145, %add3A_148 : vector<16xi32>
        %gather3A_150 = tpu.vector_load_idx %arg15[%add3A_149] : memref<512xf32, #tpu.memory_space<vmem>>[vector<16xi32>], vector<16xf32>,
        %mul3A_151 = arith.mulf %mul3A_138, %gather3A_150 : vector<16xf32>
        %add3A_152 = arith.addf %gather3A_146, %mul3A_151 : vector<16xf32>
        %add3A_153 = arith.constant 128 : i32
        %add3A_154 = vector.broadcast %add3A_153 : i32 to vector<16xi32>
        %add3A_155 = arith.addi %add3A_145, %add3A_154 : vector<16xi32>
        %gather3A_156 = tpu.vector_load_idx %arg15[%add3A_155] : memref<512xf32, #tpu.memory_space<vmem>>[vector<16xi32>], vector<16xf32>,
        %mul3A_157 = arith.mulf %mul3A_140, %gather3A_156 : vector<16xf32>
        %add3A_158 = arith.addf %add3A_152, %mul3A_157 : vector<16xf32>
        %add3A_159 = arith.constant 192 : i32
        %add3A_160 = vector.broadcast %add3A_159 : i32 to vector<16xi32>
        %add3A_161 = arith.addi %add3A_145, %add3A_160 : vector<16xi32>
        %gather3A_162 = tpu.vector_load_idx %arg15[%add3A_161] : memref<512xf32, #tpu.memory_space<vmem>>[vector<16xi32>], vector<16xf32>,
        %mul3A_163 = arith.mulf %mul3A_141, %gather3A_162 : vector<16xf32>
        %add3A_164 = arith.addf %add3A_158, %mul3A_163 : vector<16xf32>
        %add3A_165 = arith.constant 256 : i32
        %add3A_166 = vector.broadcast %add3A_165 : i32 to vector<16xi32>
        %add3A_167 = arith.addi %add3A_145, %add3A_166 : vector<16xi32>
        %gather3A_168 = tpu.vector_load_idx %arg15[%add3A_167] : memref<512xf32, #tpu.memory_space<vmem>>[vector<16xi32>], vector<16xf32>,
        %add3A_169 = arith.constant 320 : i32
        %add3A_170 = vector.broadcast %add3A_169 : i32 to vector<16xi32>
        %add3A_171 = arith.addi %add3A_145, %add3A_170 : vector<16xi32>
        %gather3A_172 = tpu.vector_load_idx %arg15[%add3A_171] : memref<512xf32, #tpu.memory_space<vmem>>[vector<16xi32>], vector<16xf32>,
        %mul3A_173 = arith.mulf %mul3A_138, %gather3A_172 : vector<16xf32>
        %add3A_174 = arith.addf %gather3A_168, %mul3A_173 : vector<16xf32>
        %add3A_175 = arith.constant 384 : i32
        %add3A_176 = vector.broadcast %add3A_175 : i32 to vector<16xi32>
        %add3A_177 = arith.addi %add3A_145, %add3A_176 : vector<16xi32>
        %gather3A_178 = tpu.vector_load_idx %arg15[%add3A_177] : memref<512xf32, #tpu.memory_space<vmem>>[vector<16xi32>], vector<16xf32>,
        %mul3A_179 = arith.mulf %mul3A_140, %gather3A_178 : vector<16xf32>
        %add3A_180 = arith.addf %add3A_174, %mul3A_179 : vector<16xf32>
        %add3A_181 = arith.constant 448 : i32
        %add3A_182 = vector.broadcast %add3A_181 : i32 to vector<16xi32>
        %add3A_183 = arith.addi %add3A_145, %add3A_182 : vector<16xi32>
        %gather3A_184 = tpu.vector_load_idx %arg15[%add3A_183] : memref<512xf32, #tpu.memory_space<vmem>>[vector<16xi32>], vector<16xf32>,
        %mul3A_185 = arith.mulf %mul3A_141, %gather3A_184 : vector<16xf32>
        %add3A_186 = arith.addf %add3A_180, %mul3A_185 : vector<16xf32>
        %swap3A = arith.index_cast %mul3A_90 : i32 to index
        %swap3A_187 = tpu.vector_load %arg11[%swap3A] {strides = array<i32>} : memref<8192xf32, #tpu.memory_space<vmem>>, vector<16xf32>,
        tpu.vector_store %arg11[%swap3A], %add3A_164 {strides = array<i32>} : memref<8192xf32, #tpu.memory_space<vmem>>, vector<16xf32>,
        %swap3A_188 = arith.index_cast %mul3A_90 : i32 to index
        %swap3A_189 = tpu.vector_load %arg12[%swap3A_188] {strides = array<i32>} : memref<8192xf32, #tpu.memory_space<vmem>>, vector<16xf32>,
        tpu.vector_store %arg12[%swap3A_188], %add3A_186 {strides = array<i32>} : memref<8192xf32, #tpu.memory_space<vmem>>, vector<16xf32>,
      }
      %scan3A_87 = arith.constant 512 : i32
      "tpu.region"() ({
        %run_scoped3A = tpu.sem_alloc : memref<!tpu.dma_semaphore, #tpu.memory_space<semaphore_mem>>
        %dma_start3A = tpu.memref_slice %arg7[%add3A_81] : memref<4194304xf32, #tpu.memory_space<hbm>> -> memref<8192xf32, #tpu.memory_space<hbm>>
        %dma_start3A_88 = tpu.memref_slice %arg7[%add3A_81] : memref<4194304xf32, #tpu.memory_space<hbm>> -> memref<8192xf32, #tpu.memory_space<hbm>>
        tpu.enqueue_dma source(%arg11 : memref<8192xf32, #tpu.memory_space<vmem>>) target(%dma_start3A_88 : memref<8192xf32, #tpu.memory_space<hbm>>) target_semaphore(%run_scoped3A : memref<!tpu.dma_semaphore, #tpu.memory_space<semaphore_mem>>)
        %dma_wait3A = tpu.memref_slice %arg7[%add3A_81] : memref<4194304xf32, #tpu.memory_space<hbm>> -> memref<8192xf32, #tpu.memory_space<hbm>>
        %dma_wait3A_89 = tpu.memref_slice %arg7[%add3A_81] : memref<4194304xf32, #tpu.memory_space<hbm>> -> memref<8192xf32, #tpu.memory_space<hbm>>
        tpu.wait_dma2 semaphore(%run_scoped3A : memref<!tpu.dma_semaphore, #tpu.memory_space<semaphore_mem>>) src(%arg11 : memref<8192xf32, #tpu.memory_space<vmem>>) dst(%dma_wait3A_89 : memref<8192xf32, #tpu.memory_space<hbm>>)
        tpu.yield
      }) : () -> ()
      "tpu.region"() ({
        %run_scoped3A = tpu.sem_alloc : memref<!tpu.dma_semaphore, #tpu.memory_space<semaphore_mem>>
        %dma_start3A = tpu.memref_slice %arg8[%add3A_81] : memref<4194304xf32, #tpu.memory_space<hbm>> -> memref<8192xf32, #tpu.memory_space<hbm>>
        %dma_start3A_88 = tpu.memref_slice %arg8[%add3A_81] : memref<4194304xf32, #tpu.memory_space<hbm>> -> memref<8192xf32, #tpu.memory_space<hbm>>
        tpu.enqueue_dma source(%arg12 : memref<8192xf32, #tpu.memory_space<vmem>>) target(%dma_start3A_88 : memref<8192xf32, #tpu.memory_space<hbm>>) target_semaphore(%run_scoped3A : memref<!tpu.dma_semaphore, #tpu.memory_space<semaphore_mem>>)
        %dma_wait3A = tpu.memref_slice %arg8[%add3A_81] : memref<4194304xf32, #tpu.memory_space<hbm>> -> memref<8192xf32, #tpu.memory_space<hbm>>
        %dma_wait3A_89 = tpu.memref_slice %arg8[%add3A_81] : memref<4194304xf32, #tpu.memory_space<hbm>> -> memref<8192xf32, #tpu.memory_space<hbm>>
        tpu.wait_dma2 semaphore(%run_scoped3A : memref<!tpu.dma_semaphore, #tpu.memory_space<semaphore_mem>>) src(%arg12 : memref<8192xf32, #tpu.memory_space<vmem>>) dst(%dma_wait3A_89 : memref<8192xf32, #tpu.memory_space<hbm>>)
        tpu.yield
      }) : () -> ()
    }
    %scan3A_77 = arith.constant 16 : i32
    return
  }
}

</mosaic_0001>

<sc_bundles>
// kernel: kernel.3.cloned.1.call-start
scs
__scs_entry_jumppad:
0x0: {  	(pc) =	sbr.rel $0x88, $3  }
0x1: {  	(tag) =	ssettag $0x0;
	lr =	simm.s32 $0x1  }
0x2: {  	[smem:$0x3F9B] =	sst lr;
	_ =	strace $0xD0000000  }
0x3: {  	_ = 	snop  }
0x4: {  	_ = 	snop  }
0x5: {  	_ = 	snop  }
0x6: {  	_ = 	snop  }
0x7: {  	_ = 	snop  }
__scs_overlays_trampoline_lowered:
0x8: {  	[smem:$0x3FAA] =	sst s0  }
0x9: {  	[smem:$0x3FAB] =	sst s1  }
0xa: {  	[smem:$0x3FAC] =	sst s2  }
0xb: {  	[smem:$0x3FAD] =	sst s3  }
0xc: {  	[smem:$0x3FAE] =	sst s4  }
0xd: {  	[smem:$0x3FAF] =	sst s5  }
0xe: {  	[smem:$0x3FB0] =	sst s6  }
0xf: {  	[smem:$0x3FB1] =	sst s7  }
0x10: {  	[smem:$0x3FB2] =	sst s8  }
0x11: {  	[smem:$0x3FB3] =	sst s9;
	s0 =	simm.s32 @!p0 $0x0  }
0x12: {  	s1 =	sld [smem:$0x3F99];
	s0 =	simm.s32 @p0 $0x1  }
0x13: {  	[smem:$0x3FB4] =	sst s0;
	s0 =	simm.s32 @!p1 $0x0  }
0x14: {  	s2 =	sld [smem:$0x3F98];
	s0 =	simm.s32 @p1 $0x1  }
0x15: {  	[smem:$0x3FB5] =	sst s0;
	s0 =	simm.s32 @!p2 $0x0  }
0x16: {  	s3 =	sld [smem:$0x3FDB];
	s0 =	simm.s32 @p2 $0x1  }
0x17: {  	s4 =	simm.s32 $0x1BF5;
	[smem:$0x3FB7] =	sst s0  }
0x18: {  	s0 =	sld [smem:$0x3F9A];
	_ =	swait.ge [sflag:s4], $0x0  }
0x19: {  	s7 =	sld [smem:$0x3F9B]  }
0x1a: {  	s8 =	sadd.s32 $0xFFFFE003, lr  }
0x1b: {  	s9 =	sadd.s32 $0xFFFFFEF7, lr;
	s5 =	simm.s32 $0xFFFFFFFF;
	p2 =	slt.u32 s8, $0xFFFFF086  }
0x1c: {  	p1 =	slt.u32 s9, $0xF7A;
	s5 =	simm.s32 @!p2 $0x0  }
0x1d: {  	s5 =	simm.s32 @p1 $0x1;
	p0 =	seq.s32 s7, s2  }
0x1e: {  	s7 =	smul.u32 @!p0 $0xF7A, s2;
	p2 =	seq.s32 @!p0 s5, $0x0  }
0x1f: {  	s9 =	smul.u32 $0xF7A, s1;
	s8 =	simm.s32 @!p0 $0x1BF5;
	p2 =	por !p2, p0  }
0x20: {  	[sflag:s8] =	ssyncset.s32 @!p0 $0xFFFFF086;
	s6 =	sadd.s32 @!p0 s3, s7;
	s7 =	simm.s32 @!p0 $0x108  }
0x21: {  	s3 =	sadd.s32 s3, s9;
	s6 =	sadd.s32 @!p0 $0x88, s6;
	s7 =	simm.s32 @p2 $0x1082  }
0x22: {  	[simem:s7], [sflag:s8] =	dma.local @!p0 [hbm:s6], $0xF7A  }
0x23: {  	s9 =	sor.u32 $0xD0000000, s2;
	s6 =	simm.s32 $0x108;
	_ =	swait.ge @!p0 [sflag:s8], $0x0  }
0x24: {  	s3 =	sadd.s32 $0x88, s3;
	s6 =	simm.s32 @!p1 $0x1082;
	[sflag:s4] =	ssyncset.s32 $0xFFFFF086  }
0x25: {  	[simem:s6], [sflag:s4] =	dma.local [hbm:s3], $0xF7A  }
0x26: {  	[smem:$0x3F9B] =	sst s1;
	(tag) =	ssettag s2;
	_ =	strace s9  }
0x27: {  	s1 =	sld [smem:$0x3FAB]  }
0x28: {  	s2 =	sld [smem:$0x3FAC]  }
0x29: {  	s4 =	sld [smem:$0x3FAE]  }
0x2a: {  	p0 =	seq.s32 s5, $0x0;
	s5 =	sld [smem:$0x3FAF]  }
0x2b: {  	s6 =	sld [smem:$0x3FB0]  }
0x2c: {  	s7 =	sld [smem:$0x3FB1]  }
0x2d: {  	s3 =	simm.s32 $0x108;
	s8 =	sld [smem:$0x3FB2]  }
0x2e: {  	s3 =	simm.s32 @!p0 $0x1082;
	s9 =	sld [smem:$0x3FB3]  }
0x2f: {  	lr =	sadd.s32 s0, s3;
	s0 =	sld [smem:$0x3FAA]  }
0x30: {  	s3 =	sld [smem:$0x3FAD]  }
0x31: {  	[smem:$0x3FB6] =	sst s10  }
0x32: {  	s10 =	sld [smem:$0x3FB4];
	_ =	sdelay $0x3  }
0x33: {  	p0 =	seq.s32 s10, $0x1;
	s10 =	sld [smem:$0x3FB6];
	_ =	sdelay $0x3  }
0x34: {  	[smem:$0x3FB6] =	sst s10  }
0x35: {  	s10 =	sld [smem:$0x3FB5];
	_ =	sdelay $0x3  }
0x36: {  	p1 =	seq.s32 s10, $0x1;
	s10 =	sld [smem:$0x3FB6];
	_ =	sdelay $0x3  }
0x37: {  	[smem:$0x3FB6] =	sst s10  }
0x38: {  	s10 =	sld [smem:$0x3FB7]  }
0x39: {  	_ = 	snop;
	(pc) =	sbr.ind lr, $3  }
0x3a: {  	_ = 	snop  }
0x3b: {  	_ = 	snop  }
0x3c: {  	p2 =	seq.s32 s10, $0x1;
	s10 =	sld [smem:$0x3FB6]  }
0x3d: {  	_ =	shalt  }
0x3e: {  	_ =	shalt  }
0x3f: {  	_ =	shalt  }
0x40: {  	_ =	shalt  }
0x41: {  	_ =	shalt  }
0x42: {  	_ =	shalt  }
0x43: {  	_ =	shalt  }
0x44: {  	_ =	shalt  }
0x45: {  	_ =	shalt  }
0x46: {  	_ =	shalt  }
0x47: {  	_ =	shalt  }
0x48: {  	_ =	shalt  }
0x49: {  	_ =	shalt  }
0x4a: {  	_ =	shalt  }
0x4b: {  	_ =	shalt  }
0x4c: {  	_ =	shalt  }
0x4d: {  	_ =	shalt  }
0x4e: {  	_ =	shalt  }
0x4f: {  	_ =	shalt  }
0x50: {  	_ =	shalt  }
0x51: {  	_ =	shalt  }
0x52: {  	_ =	shalt  }
0x53: {  	_ =	shalt  }
0x54: {  	_ =	shalt  }
0x55: {  	_ =	shalt  }
0x56: {  	_ =	shalt  }
0x57: {  	_ =	shalt  }
0x58: {  	_ =	shalt  }
0x59: {  	_ =	shalt  }
0x5a: {  	_ =	shalt  }
0x5b: {  	_ =	shalt  }
0x5c: {  	_ =	shalt  }
0x5d: {  	_ =	shalt  }
0x5e: {  	_ =	shalt  }
0x5f: {  	_ =	shalt  }
0x60: {  	_ =	shalt  }
0x61: {  	_ =	shalt  }
0x62: {  	_ =	shalt  }
0x63: {  	_ =	shalt  }
0x64: {  	_ =	shalt  }
0x65: {  	_ =	shalt  }
0x66: {  	_ =	shalt  }
0x67: {  	_ =	shalt  }
0x68: {  	_ =	shalt  }
0x69: {  	_ =	shalt  }
0x6a: {  	_ =	shalt  }
0x6b: {  	_ =	shalt  }
0x6c: {  	_ =	shalt  }
0x6d: {  	_ =	shalt  }
0x6e: {  	_ =	shalt  }
0x6f: {  	_ =	shalt  }
0x70: {  	_ =	shalt  }
0x71: {  	_ =	shalt  }
0x72: {  	_ =	shalt  }
0x73: {  	_ =	shalt  }
0x74: {  	_ =	shalt  }
0x75: {  	_ =	shalt  }
0x76: {  	_ =	shalt  }
0x77: {  	_ =	shalt  }
0x78: {  	_ =	shalt  }
0x79: {  	_ =	shalt  }
0x7a: {  	_ =	shalt  }
0x7b: {  	_ =	shalt  }
0x7c: {  	_ =	shalt  }
0x7d: {  	_ =	shalt  }
0x7e: {  	_ =	shalt  }
0x7f: {  	_ =	shalt  }
0x80: {  	_ =	shalt  }
0x81: {  	_ =	shalt  }
0x82: {  	_ =	shalt  }
0x83: {  	_ =	shalt  }
0x84: {  	_ =	shalt  }
0x85: {  	_ =	shalt  }
0x86: {  	_ =	shalt  }
0x87: {  	_ =	shalt  }
.Lfunc_end0:
.L_simem_size_0:
called_computation_lowered:
.L_overlay_start_0:
0x88: {  	s2 =	sld [smem:$0x3FD9]  }
0x89: {  	s3 =	sld [smem:$0x3FFE];
	_ =	sdelay $0x1  }
0x8a: {  	s1 =	srdreg.scid  }
0x8b: {  	s0 =	sand.u32 $0x1, s1  }
0x8c: {  	s14 =	sshll.u32 s0, $0xA;
	s2 =	sadd.s32 s3, s2  }
0x8d: {  	s2 =	sadd.s32 s2, s14  }
0x8e: {  	[smem:$0x3FC2] =	sst s2  }
0x8f: {  	_ = 	snop  }
0x90: {  	s2 =	sld [smem:$0x3FD0];
	_ =	sdelay $0x1  }
0x91: {  	s15 =	sld [smem:$0x3FC9]  }
0x92: {  	s5 =	simm.s32 $0xA;
	s6 =	simm.s32 $0x10;
	s4 =	sld [smem:$0x3FC8]  }
0x93: {  	[smem:s6], [sflag:s5] =	dma.local [hbm:s2], $0x1  }
0x94: {  	_ =	swait.eq [sflag:s5], $0x1  }
0x95: {  	[sflag:s5] =	ssyncset.done $0x0  }
0x96: {  	s16 =	sld [smem:$0x10];
	[sflag:s5] =	ssyncadd.s32 $0xFFFFFFFF  }
0x97: {  	s17 =	sld [smem:$0x11];
	(tm) =	ssettm $0x1  }
0x98: {  	s18 =	sld [smem:$0x3FFB];
	_ =	sdelay $0x3  }
0x99: {  	_ =	strace s18  }
0x9a: {  	s6 =	sld [smem:$0x3FFC];
	_ =	sdelay $0x3  }
0x9b: {  	_ =	strace s6  }
0x9c: {  	s6 =	sld [smem:$0x3FFD];
	_ =	sdelay $0x3  }
0x9d: {  	_ =	strace s6  }
0x9e: {  	_ =	strace $0x8FFFFFFF  }
0x9f: {  	s19 =	sld [smem:$0x3FDB];
	_ =	sdelay $0x1  }
0xa0: {  	s7 =	simm.s32 $_scs_section_size  }
0xa1: {  	s8 =	simm.s32 $_size__tile_overlayer_lowered;
	s9 =	simm.s32 $_tile_overlayer_lowered  }
0xa2: {  	s22 =	simm.s32 $0x1BFF;
	s21 =	sshll.u32 s9, $0x1;
	s6 =	sadd.s32 s7, s19  }
0xa3: {  	s10 =	simm.s32 $0x0;
	s20 =	sshll.u32 s8, $0x1;
	s8 =	sadd.s32 s21, s6  }
0xa4: {  	[timem:s10], [sflag:s22] =	dma.local [hbm:s8], s20  }
0xa5: {  	_ =	swait.ge [sflag:s22], s20  }
0xa6: {  	s7 =	ssub.s32 $0x0, s20;
	[sflag:s22] =	ssyncset.done $0x0  }
0xa7: {  	[sflag:s22] =	ssyncadd.s32 s7;
	_ =	sdelay $0x1  }
0xa8: {  	s23 =	simm.s32 $0x1B8B  }
0xa9: {  	_ =	swait.ge [sflag:s23], $0x1  }
0xaa: {  	[sflag:s23] =	ssyncset.done $0x0  }
0xab: {  	s25 =	simm.s32 $0x1B8E;
	s24 =	sld [smem:$0x3FFE];
	[sflag:s23] =	ssyncadd.s32 $0xFFFFFFFF  }
0xac: {  	s26 =	simm.s32 $execute0_lowered;
	[smem:$0x3FD2] =	sst s25  }
0xad: {  	s8 =	sshll.u32 s26, $0x1;
	_ =	strace $0x80000046;
	[dreg:$0x1] =	wrdreg $0xFFFFFFFF  }
0xae: {  	s28 =	simm.s32 $_size_execute0_lowered;
	s6 =	sadd.s32 s6, s8;
	[dreg:$0x0] =	wrdreg $0x0  }
0xaf: {  	s8 =	sshll.u32 s28, $0x1;
	[dreg:$0x2] =	wrdreg s6  }
0xb0: {  	[dreg:$0x3] =	wrdreg s8  }
0xb1: {  	[dreg:$0x4] =	wrdreg $0xC0  }
0xb2: {  	_ =	task [dreg:s10], $0x5FFFF  }
0xb3: {  	[dreg:$0x1] =	wrdreg $0xFFFFFFFF  }
0xb4: {  	[dreg:$0x0] =	wrdreg $0x60  }
0xb5: {  	[dreg:$0x2] =	wrdreg s15  }
0xb6: {  	[dreg:$0x3] =	wrdreg s4  }
0xb7: {  	[dreg:$0x4] =	wrdreg s24  }
0xb8: {  	[dreg:$0x5] =	wrdreg s16  }
0xb9: {  	[dreg:$0x6] =	wrdreg s17  }
0xba: {  	[dreg:$0x7] =	wrdreg $0x9  }
0xbb: {  	_ =	task.clear_ibuf [dreg:s10], $0x8FFFF;
	_ =	strace $0x90000046  }
0xbc: {  	s29 =	simm.s32 $0x9;
	_ =	strace $0x80000048  }
0xbd: {  	_ =	swait.ge [sflag:s29], $0x1  }
0xbe: {  	[sflag:s29] =	ssyncadd.s32 $0xFFFFFFFF  }
0xbf: {  	_ =	strace $0x90000048  }
0xc0: {  	_ =	sfence  }
0xc1: {  	s30 =	sld [smem:$0x0];
	_ =	sdelay $0x2  }
0xc2: {  	s31 =	sshll.u32 s1, $0xD;
	s1 =	sshrl.u32 s1, $0x2  }
0xc3: {  	s3 =	sand.u32 $0x4000, s31;
	s1 =	sadd.s32 s1, s30  }
0xc4: {  	s0 =	sor.u32 s3, s0;
	s1 =	sshll.u32 s1, $0x11  }
0xc5: {  	s0 =	sor.u32 s1, s0  }
0xc6: {  	s0 =	sadd.s32 $0x8F2B, s0  }
0xc7: {  	[sflag:s0] =	ssyncadd.remote.s32 $0x1  }
0xc8: {  	_ =	sfence.sel $0xFFFF  }
0xc9: {  	[dreg:$0x0] =	wrdreg $0xFFFFFFFF;
	(pc) =	sbr.abs _section_cstart, $3  }
0xca: {  	[dreg:$0x1] =	wrdreg $0xFFFFFFFF  }
0xcb: {  	_ =	task.clear_ibuf [dreg:s10], $0x2FFFF;
	_ =	strace $0x9FFFFFFF  }
0xcc: {  	(tm) =	ssettm $0x7FFFFFFF  }
0xcd: {  	_ =	shalt  }
tec
execute0_lowered:
.L_overlay_start_1:
0x0: {  	(tag) =	ssettag $0x1  }
0x1: {  	s1 =	rddreg [dreg:$0x0]  }
0x2: {  	s2 =	rddreg [dreg:$0x1]  }
0x3: {  	s9 =	rddreg [dreg:$0x2]  }
0x4: {  	s3 =	rddreg [dreg:$0x3]  }
0x5: {  	s4 =	rddreg [dreg:$0x4]  }
0x6: {  	s0 =	rddreg [dreg:$0x5]  }
0x7: {  	s5 =	simm.s32 $0x0;
	s6 =	srdreg.scid;
	s14 =	simm.s32 $0x8800  }
0x8: {  	s15 =	simm.s32 $0x8880;
	s16 =	simm.s32 $0x2000;
	s17 =	simm.s32 $0x4000  }
0x9: {  	s18 =	simm.s32 $0x6000;
	s19 =	simm.s32 $0x0;
	[smem:$0x7FF] =	sst s5  }
0xa: {  	s7 =	sadd.s32 $0x1200, s9;
	s10 =	sand.u32 $0x1, s6;
	s8 =	sadd.s32 $0x1000, s9  }
0xb: {  	s6 =	stileid.u32;
	s9 =	sadd.s32 $0x1400, s9;
	s11 =	ssub.s32 $0x2, s10  }
0xc: {  	s13 =	sshll.u32 s6, $0xF;
	s10 =	sshll.u32 s10, $0xE;
	s12 =	sshrl.u32 s11, $0x1  }
0xd: {  	_ =	strace $0x80000047;
	s10 =	sor.u32 s10, s13;
	s11 =	ssub.s32 s11, s12  }
0xe: {  	v0 =	vimm.s32 $0x0;
	s13 =	simm.s32 $0x1;
	s12 =	simm.s32 $0x8000;
	s11 =	smax.u32 s11, $0x1  }
.LBB2_1:
0xf: {  	[tilespmem:s12], [sflag:$0x1] =	stream.linear.gather [hbm4b:s7+s5], $0x800, $0x38;
	[tilespmem:$0x8A80] =	vst v63  }
0x10: {  	_ =	swait.ge [sflag:s13], $0x800  }
0x11: {  	[sflag:s13] =	ssyncset.done $0x0  }
0x12: {  	[sflag:s13] =	ssyncadd.s32 $0xFFFFF800  }
0x13: {  	[tilespmem:s14], [sflag:$0x1] =	stream.linear.gather [hbm4b:s8+s5], $0x80, $0x38;
	[tilespmem:$0x8A80] =	vst v63  }
0x14: {  	_ =	swait.ge [sflag:s13], $0x80  }
0x15: {  	[sflag:s13] =	ssyncset.done $0x0  }
0x16: {  	[sflag:s13] =	ssyncadd.s32 $0xFFFFFF80  }
0x17: {  	[tilespmem:s15], [sflag:$0x1] =	stream.linear.gather [hbm4b:s9+s5], $0x200, $0x38;
	[tilespmem:$0x8A80] =	vst v63  }
0x18: {  	_ =	swait.ge [sflag:s13], $0x200  }
0x19: {  	[sflag:s13] =	ssyncset.done $0x0  }
0x1a: {  	[sflag:s13] =	ssyncadd.s32 $0xFFFFFE00  }
0x1b: {  	v1 =	vld [tilespmem:$0x8000]  }
0x1c: {  	v2 =	vld [tilespmem:$0x8080]  }
0x1d: {  	v3 =	vld [tilespmem:$0x8100]  }
0x1e: {  	v4 =	vld [tilespmem:$0x8180]  }
0x1f: {  	v5 =	vld [tilespmem:$0x8200]  }
0x20: {  	v6 =	vld [tilespmem:$0x8280]  }
0x21: {  	v7 =	vld [tilespmem:$0x8300]  }
0x22: {  	v8 =	vld [tilespmem:$0x8400]  }
0x23: {  	v9 =	vld [tilespmem:$0x8480]  }
0x24: {  	v10 =	vld [tilespmem:$0x8500]  }
0x25: {  	v11 =	vld [tilespmem:$0x8580]  }
0x26: {  	v12 =	vld [tilespmem:$0x8600]  }
0x27: {  	v13 =	vld [tilespmem:$0x8680]  }
0x28: {  	s20 =	simm.s32 $0x0;
	v14 =	vld [tilespmem:$0x8700]  }
.LBB2_2:
0x29: {  	s21 =	sshll.u32 s20, $0xA  }
0x2a: {  	s21 =	sadd.s32 s10, s21  }
0x2b: {  	s23 =	simm.s32 $0x0;
	s22 =	sadd.s32 s1, s21  }
0x2c: {  	[tilespmem:s23], [sflag:$0x1] =	stream.linear.gather [hbm4b:s22+s23], $0x2000, $0x38;
	[tilespmem:$0x8A80] =	vst v63  }
0x2d: {  	_ =	swait.ge [sflag:s13], $0x2000  }
0x2e: {  	[sflag:s13] =	ssyncset.done $0x0  }
0x2f: {  	s31 =	sadd.s32 s2, s21;
	[sflag:s13] =	ssyncadd.s32 $0xFFFFE000  }
0x30: {  	[tilespmem:s16], [sflag:$0x1] =	stream.linear.gather [hbm4b:s31+s23], $0x2000, $0x38;
	[tilespmem:$0x8A80] =	vst v63  }
0x31: {  	_ =	swait.ge [sflag:s13], $0x2000  }
0x32: {  	[sflag:s13] =	ssyncset.done $0x0  }
0x33: {  	s25 =	simm.s32 $0x0;
	[sflag:s13] =	ssyncadd.s32 $0xFFFFE000  }
0x34: {  	v32 =	vld [tilespmem:s25+$0x2000]  }
0x35: {  	s23 =	simm.s32 $0x10;
	v31 =	vld [tilespmem:s25+$0x0]  }
0x36: {  	v17 =	vld [tilespmem:s23+$0x2000]  }
0x37: {  	v20 =	vld [tilespmem:s23+$0x0];
	_ =	sdelay $0x1  }
0x38: {  	vm0 =	vge.f32 v32, v8;
	vm1 =	vge.f32 v32, v9  }
0x39: {  	vm2 =	vge.f32 v31, v1;
	vm3 =	vge.f32 v31, v3;
	vm4 =	vge.f32 v32, v14  }
0x3a: {  	vm5 =	vge.f32 v31, v2;
	vm6 =	vge.f32 v32, v13;
	vm7 =	vge.f32 v31, v7  }
0x3b: {  	vm14 =	vge.f32 v31, v4;
	vm15 =	vge.f32 v17, v14;
	vm12 =	vge.f32 v20, v2  }
0x3c: {  	vm13 =	vge.f32 v17, v13;
	vm8 =	vge.f32 v17, v12;
	v15 =	vsel vm0, $0x1, v0  }
0x3d: {  	vm0 =	vge.f32 v31, v6;
	v16 =	vsel vm2, $0x1, v0;
	vm2 =	vge.f32 v32, v12  }
0x3e: {  	v15 =	vsel vm1, $0x2, v15;
	vm1 =	vge.f32 v32, v10;
	v16 =	vsel vm5, $0x2, v16  }
0x3f: {  	vm0 =	vmor vm7, vm0;
	v15 =	vsel vm1, $0x3, v15;
	vm1 =	vge.f32 v32, v11  }
0x40: {  	v16 =	vsel vm3, $0x3, v16;
	vm3 =	vge.f32 v20, v3;
	v15 =	vsel vm1, $0x4, v15  }
0x41: {  	vm1 =	vge.f32 v31, v5;
	v16 =	vsel vm14, $0x4, v16;
	vm14 =	vge.f32 v20, v7  }
0x42: {  	v15 =	vsel vm2, $0x5, v15;
	vm2 =	vmor vm4, vm6;
	v16 =	vsel vm1, $0x5, v16  }
0x43: {  	vm1 =	vge.f32 v17, v9;
	v15 =	vsel vm2, $0x6, v15;
	v33 =	vsel vm0, $0x6, v16  }
0x44: {  	vm0 =	vge.f32 v17, v8;
	vm2 =	vge.f32 v20, v1;
	v19 =	vand.u32 $0x6F, v15  }
0x45: {  	v27 =	vand.u32 $0x67, v15;
	v21 =	vand.u32 $0x77, v33;
	v16 =	vshll.u32 v33, $0x3  }
0x46: {  	v34 =	vor.u32 v15, v16;
	v15 =	vsel vm0, $0x1, v0;
	vm0 =	vge.f32 v20, v6  }
0x47: {  	v16 =	vsel vm2, $0x1, v0;
	vm2 =	vge.f32 v20, v5;
	v35 =	vor.u32 $0x10, v19  }
0x48: {  	v37 =	vor.u32 $0x8, v21;
	v57 =	vor.u32 $0x18, v27;
	v15 =	vsel vm1, $0x2, v15  }
0x49: {  	vm1 =	vge.f32 v17, v10;
	v16 =	vsel vm12, $0x2, v16;
	vm0 =	vmor vm14, vm0  }
0x4a: {  	v58 =	vadd.s32 $0x40, v34;
	v39 =	vor.u32 $0x80, v34;
	v40 =	vadd.s32 $0x140, v34  }
0x4b: {  	s22 =	simm.s32 $0x20;
	v41 =	vadd.s32 $0x1C0, v34;
	v15 =	vsel vm1, $0x3, v15;
	vm1 =	vge.f32 v17, v11  }
0x4c: {  	v18 =	vsel vm3, $0x3, v16;
	v16 =	vld [tilespmem:s22+$0x2000];
	v15 =	vsel vm1, $0x4, v15;
	vm1 =	vge.f32 v20, v4  }
0x4d: {  	v42 =	vor.u32 $0x100, v34;
	v43 =	vor.u32 $0x180, v34;
	v22 =	vsel vm1, $0x4, v18  }
0x4e: {  	v33 =	vld.idx.msk [tilespmem:v33+s14+$0x0], $0xffff;
	v15 =	vsel vm8, $0x5, v15;
	vm1 =	vmor vm15, vm13;
	v22 =	vsel vm2, $0x5, v22  }
0x4f: {  	v46 =	vadd.s32 $0xC0, v34;
	v18 =	vld [tilespmem:s22+$0x0];
	v15 =	vsel vm1, $0x6, v15;
	v23 =	vsel vm0, $0x6, v22  }
0x50: {  	v19 =	vand.u32 $0x6F, v15;
	v26 =	vand.u32 $0x67, v15;
	v22 =	vshll.u32 v23, $0x3  }
0x51: {  	v28 =	vand.u32 $0x77, v23;
	vm0 =	vge.f32 v16, v8;
	vm1 =	vge.f32 v16, v9  }
0x52: {  	v37 =	vld.idx.msk [tilespmem:v37+s14+$0x0], $0xffff;
	vm4 =	vge.f32 v16, v14;
	vm12 =	vge.f32 v16, v13;
	vm14 =	vge.f32 v16, v12  }
0x53: {  	v35 =	vld.idx.msk [tilespmem:v35+s14+$0x0], $0xffff;
	v30 =	vor.u32 $0x10, v19;
	v22 =	vor.u32 v15, v22;
	v15 =	vsel vm0, $0x1, v0  }
0x54: {  	v31 =	vsub.f32 v31, v33;
	vm2 =	vge.f32 v18, v1;
	vm3 =	vge.f32 v18, v3  }
0x55: {  	s24 =	simm.s32 $0x30;
	v40 =	vld.idx.msk [tilespmem:v40+s15+$0x0], $0xffff;
	vm0 =	vge.f32 v18, v6;
	v15 =	vsel vm1, $0x2, v15;
	vm1 =	vge.f32 v16, v10  }
0x56: {  	v19 =	vld [tilespmem:s24+$0x0];
	vm15 =	vge.f32 v18, v2;
	vm13 =	vge.f32 v18, v7;
	v15 =	vsel vm1, $0x3, v15  }
0x57: {  	vm1 =	vge.f32 v16, v11;
	v24 =	vsel vm2, $0x1, v0;
	vm0 =	vmor vm13, vm0  }
0x58: {  	vm2 =	vge.f32 v18, v4;
	v62 =	vmul.f32 v37, v31;
	v63 =	vsub.f32 v32, v35  }
0x59: {  	v15 =	vsel vm1, $0x4, v15;
	v24 =	vsel vm15, $0x2, v24;
	vm1 =	vge.f32 v18, v5  }
0x5a: {  	v24 =	vsel vm3, $0x3, v24;
	v15 =	vsel vm14, $0x5, v15;
	vm3 =	vmor vm4, vm12  }
0x5b: {  	vm5 =	vge.f32 v19, v2;
	vm13 =	vge.f32 v19, v7;
	v47 =	vmul.f32 v40, v62  }
0x5c: {  	v24 =	vsel vm2, $0x4, v24;
	v36 =	vsel vm3, $0x6, v15;
	v15 =	vld [tilespmem:s24+$0x2000];
	vm3 =	vge.f32 v19, v1  }
0x5d: {  	vm2 =	vge.f32 v19, v3;
	v24 =	vsel vm1, $0x5, v24;
	v38 =	vand.u32 $0x6F, v36  }
0x5e: {  	v25 =	vand.u32 $0x67, v36;
	v61 =	vsel vm3, $0x1, v0;
	v24 =	vsel vm0, $0x6, v24  }
0x5f: {  	v45 =	vld.idx.msk [tilespmem:v34+s15+$0x0], $0xffff;
	v27 =	vor.u32 $0x10, v38;
	v34 =	vsel vm5, $0x2, v61;
	v21 =	vshll.u32 v24, $0x3  }
0x60: {  	v38 =	vld.idx.msk [tilespmem:v58+s15+$0x0], $0xffff;
	v29 =	vand.u32 $0x77, v24;
	v34 =	vsel vm2, $0x3, v34;
	v21 =	vor.u32 v36, v21  }
0x61: {  	v36 =	vld.idx.msk [tilespmem:v57+s14+$0x0], $0xffff;
	vm0 =	vge.f32 v15, v8;
	vm1 =	vge.f32 v15, v9;
	vm15 =	vge.f32 v15, v14  }
0x62: {  	vm12 =	vge.f32 v15, v13;
	vm14 =	vge.f32 v15, v12;
	v44 =	vsel vm0, $0x1, v0  }
0x63: {  	v42 =	vld.idx.msk [tilespmem:v42+s15+$0x0], $0xffff;
	vm0 =	vge.f32 v19, v6;
	vm3 =	vmor vm15, vm12;
	vm15 =	vge.f32 v19, v4  }
0x64: {  	v43 =	vld.idx.msk [tilespmem:v43+s15+$0x0], $0xffff;
	v44 =	vsel vm1, $0x2, v44;
	vm1 =	vge.f32 v15, v10;
	vm0 =	vmor vm13, vm0  }
0x65: {  	v35 =	vld.idx.msk [tilespmem:v39+s15+$0x0], $0xffff;
	v37 =	vmul.f32 v38, v62;
	v44 =	vsel vm1, $0x3, v44;
	vm1 =	vge.f32 v15, v11  }
0x66: {  	v34 =	vsel vm15, $0x4, v34;
	v59 =	vsel vm1, $0x4, v44;
	v39 =	vmul.f32 v36, v63;
	v36 =	vld.idx.msk [tilespmem:v41+s15+$0x0], $0xffff  }
0x67: {  	vm1 =	vge.f32 v19, v5;
	v38 =	vadd.f32 v37, v45;
	v37 =	vld.idx.msk [tilespmem:v46+s15+$0x0], $0xffff;
	v60 =	vsel vm14, $0x5, v59  }
0x68: {  	v41 =	vadd.f32 v47, v42;
	v31 =	vsel vm3, $0x6, v60;
	v40 =	vmul.f32 v39, v62  }
0x69: {  	s26 =	simm.s32 $0x100;
	v42 =	vmul.f32 v43, v39;
	v32 =	vand.u32 $0x6F, v31;
	v33 =	vand.u32 $0x67, v31  }
.LBB2_3:
0x6a: {  	s28 =	sshra.s32 s26, $0x2;
	p0 =	sne.s32 s26, $0x7FC0;
	s26 =	sadd.s32 $0x40, s26;
	v34 =	vsel vm1, $0x5, v34;
	v43 =	vor.u32 $0x8, v28;
	v35 =	vmul.f32 v35, v39;
	v28 =	vmovc v29  }
0x6b: {  	v34 =	vsel vm0, $0x6, v34;
	v39 =	vadd.f32 v42, v41;
	v36 =	vmul.f32 v36, v40  }
0x6c: {  	v37 =	vmul.f32 v37, v40;
	v29 =	vand.u32 $0x77, v34;
	v35 =	vadd.f32 v35, v38  }
0x6d: {  	v40 =	vshll.u32 v34, $0x3;
	v38 =	vld [tilespmem:s28+$0x2000];
	v36 =	vadd.f32 v36, v39  }
0x6e: {  	v31 =	vor.u32 v31, v40;
	v39 =	vld [tilespmem:s28+$0x0];
	v35 =	vadd.f32 v37, v35  }
0x6f: {  	v37 =	vor.u32 $0x18, v26;
	v26 =	vmov v25;
	v25 =	vmov v33;
	[tilespmem:s25+$0x6000] =	vst v36  }
0x70: {  	v32 =	vor.u32 $0x10, v32;
	v33 =	vadd.s32 $0x40, v22;
	[tilespmem:s25+$0x4000] =	vst v35;
	s25 =	smov.u32 s23;
	s23 =	smov.u32 s22;
	s22 =	smov.u32 s24  }
0x71: {  	v41 =	vadd.s32 $0x1C0, v22;
	v40 =	vadd.s32 $0x140, v22;
	v36 =	vor.u32 $0x80, v22;
	s24 =	smov.u32 s28;
	v35 =	vld.idx.msk [tilespmem:v43+s14+$0x0], $0xffff  }
0x72: {  	v43 =	vor.u32 $0x100, v22;
	vm0 =	vge.f32 v38, v8;
	vm1 =	vge.f32 v38, v9;
	v42 =	vld.idx.msk [tilespmem:v23+s14+$0x0], $0xffff;
	v23 =	vmovc v24  }
0x73: {  	v45 =	vor.u32 $0x180, v22;
	v24 =	vmovc v34;
	vm3 =	vge.f32 v39, v1;
	vm2 =	vge.f32 v39, v3;
	v44 =	vld.idx.msk [tilespmem:v30+s14+$0x0], $0xffff  }
0x74: {  	vm5 =	vge.f32 v38, v14;
	v34 =	vsel vm0, $0x1, v0;
	vm0 =	vge.f32 v39, v6;
	v30 =	vmovc v27;
	v46 =	vld.idx.msk [tilespmem:v37+s14+$0x0], $0xffff  }
0x75: {  	vm6 =	vge.f32 v38, v13;
	vm4 =	vge.f32 v39, v2;
	vm7 =	vge.f32 v39, v7;
	v33 =	vld.idx.msk [tilespmem:v33+s15+$0x0], $0xffff  }
0x76: {  	vm8 =	vge.f32 v38, v12;
	v27 =	vmovc v32;
	v34 =	vsel vm1, $0x2, v34;
	vm1 =	vge.f32 v38, v10;
	v40 =	vld.idx.msk [tilespmem:v40+s15+$0x0], $0xffff  }
0x77: {  	v32 =	vsel vm1, $0x3, v34;
	vm1 =	vge.f32 v38, v11;
	v34 =	vadd.s32 $0xC0, v22;
	v47 =	vld.idx.msk [tilespmem:v22+s15+$0x0], $0xffff;
	v22 =	vmovc v21;
	v21 =	vmovc v31  }
0x78: {  	vm0 =	vmor vm7, vm0;
	v31 =	vsel vm1, $0x4, v32;
	v32 =	vsub.f32 v20, v42;
	v20 =	vmovc v18;
	v18 =	vmovc v19;
	v42 =	vld.idx.msk [tilespmem:v45+s15+$0x0], $0xffff  }
0x79: {  	vm1 =	vge.f32 v39, v5;
	v19 =	vmov v39;
	v31 =	vsel vm8, $0x5, v31;
	v43 =	vld.idx.msk [tilespmem:v43+s15+$0x0], $0xffff  }
0x7a: {  	v37 =	vsel vm3, $0x1, v0;
	vm3 =	vmor vm5, vm6;
	v45 =	vmul.f32 v35, v32;
	v35 =	vld.idx.msk [tilespmem:v36+s15+$0x0], $0xffff  }
.Ltmp0:
0x7b: {  	vm5 =	vge.f32 v19, v4;
	v39 =	vsub.f32 v17, v44;
	v17 =	vmovc v16;
	v31 =	vsel vm3, $0x6, v31;
	v36 =	vld.idx.msk [tilespmem:v41+s15+$0x0], $0xffff;
	(pc) =	sbr.rel @p0 .LBB2_3-.Ltmp0, $4  }
0x7c: {  	v16 =	vmovc v15;
	v15 =	vmovc v38;
	v32 =	vand.u32 $0x6F, v31;
	v41 =	vsel vm4, $0x2, v37;
	v44 =	vmul.f32 v33, v45;
	v37 =	vld.idx.msk [tilespmem:v34+s15+$0x0], $0xffff  }
0x7d: {  	v39 =	vmul.f32 v46, v39;
	v33 =	vsel vm2, $0x3, v41;
	v41 =	vmul.f32 v40, v45  }
0x7e: {  	v34 =	vsel vm5, $0x4, v33;
	v33 =	vand.u32 $0x67, v31;
	v38 =	vadd.f32 v44, v47  }
0x7f: {  	v40 =	vmul.f32 v39, v45;
	v42 =	vmul.f32 v42, v39;
	v41 =	vadd.f32 v41, v43  }
0x80: {  	v35 =	vmul.f32 v35, v39  }
0x81: {  	v60 =	vadd.f32 v42, v41;
	v36 =	vmul.f32 v36, v40  }
0x82: {  	v28 =	vor.u32 $0x8, v28;
	v37 =	vmul.f32 v37, v40;
	v35 =	vadd.f32 v35, v38  }
0x83: {  	v36 =	vadd.f32 v36, v60  }
0x84: {  	v35 =	vadd.f32 v37, v35  }
0x85: {  	v26 =	vor.u32 $0x18, v26;
	[tilespmem:s25+$0x6000] =	vst v36  }
0x86: {  	v61 =	vadd.s32 $0x40, v22;
	[tilespmem:s25+$0x4000] =	vst v35  }
0x87: {  	v62 =	vadd.s32 $0x140, v22;
	v28 =	vld.idx.msk [tilespmem:v28+s14+$0x0], $0xffff  }
0x88: {  	v23 =	vld.idx.msk [tilespmem:v23+s14+$0x0], $0xffff  }
0x89: {  	v63 =	vor.u32 $0x180, v22;
	v30 =	vld.idx.msk [tilespmem:v30+s14+$0x0], $0xffff  }
0x8a: {  	v44 =	vor.u32 $0x100, v22;
	v26 =	vld.idx.msk [tilespmem:v26+s14+$0x0], $0xffff  }
0x8b: {  	v45 =	vor.u32 $0x80, v22;
	v36 =	vld.idx.msk [tilespmem:v61+s15+$0x0], $0xffff  }
0x8c: {  	v46 =	vadd.s32 $0x1C0, v22;
	v35 =	vld.idx.msk [tilespmem:v62+s15+$0x0], $0xffff  }
0x8d: {  	v48 =	vadd.s32 $0xC0, v22;
	v47 =	vld.idx.msk [tilespmem:v22+s15+$0x0], $0xffff  }
0x8e: {  	v49 =	vld.idx.msk [tilespmem:v63+s15+$0x0], $0xffff;
	v20 =	vsub.f32 v20, v23  }
0x8f: {  	v50 =	vld.idx.msk [tilespmem:v44+s15+$0x0], $0xffff  }
0x90: {  	v51 =	vld.idx.msk [tilespmem:v45+s15+$0x0], $0xffff;
	v17 =	vsub.f32 v17, v30;
	v20 =	vmul.f32 v28, v20  }
0x91: {  	v52 =	vld.idx.msk [tilespmem:v46+s15+$0x0], $0xffff  }
0x92: {  	v22 =	vld.idx.msk [tilespmem:v48+s15+$0x0], $0xffff;
	v17 =	vmul.f32 v26, v17;
	v53 =	vmul.f32 v35, v20  }
0x93: {  	v54 =	vmul.f32 v36, v20  }
0x94: {  	v20 =	vmul.f32 v17, v20;
	v23 =	vmul.f32 v49, v17;
	v26 =	vadd.f32 v53, v50  }
0x95: {  	v17 =	vmul.f32 v51, v17;
	v35 =	vadd.f32 v54, v47  }
0x96: {  	v55 =	vmul.f32 v52, v20;
	v23 =	vadd.f32 v23, v26  }
0x97: {  	v56 =	vor.u32 $0x8, v29;
	v20 =	vmul.f32 v22, v20;
	v17 =	vadd.f32 v17, v35  }
0x98: {  	v57 =	vadd.f32 v55, v23  }
0x99: {  	v17 =	vadd.f32 v20, v17  }
0x9a: {  	v58 =	vor.u32 $0x18, v25;
	[tilespmem:s23+$0x6000] =	vst v57  }
0x9b: {  	v59 =	vadd.s32 $0x40, v21;
	[tilespmem:s23+$0x4000] =	vst v17  }
0x9c: {  	v60 =	vadd.s32 $0x140, v21;
	v17 =	vld.idx.msk [tilespmem:v56+s14+$0x0], $0xffff  }
0x9d: {  	v24 =	vld.idx.msk [tilespmem:v24+s14+$0x0], $0xffff  }
0x9e: {  	v62 =	vor.u32 $0x180, v21;
	v61 =	vld.idx.msk [tilespmem:v27+s14+$0x0], $0xffff  }
0x9f: {  	v63 =	vor.u32 $0x100, v21;
	v20 =	vld.idx.msk [tilespmem:v58+s14+$0x0], $0xffff  }
0xa0: {  	v35 =	vor.u32 $0x80, v21;
	v22 =	vld.idx.msk [tilespmem:v59+s15+$0x0], $0xffff  }
0xa1: {  	v36 =	vadd.s32 $0x1C0, v21;
	v23 =	vld.idx.msk [tilespmem:v60+s15+$0x0], $0xffff  }
0xa2: {  	v38 =	vadd.s32 $0xC0, v21;
	v37 =	vld.idx.msk [tilespmem:v21+s15+$0x0], $0xffff  }
0xa3: {  	v39 =	vld.idx.msk [tilespmem:v62+s15+$0x0], $0xffff;
	v18 =	vsub.f32 v18, v24  }
0xa4: {  	v40 =	vld.idx.msk [tilespmem:v63+s15+$0x0], $0xffff  }
0xa5: {  	v41 =	vld.idx.msk [tilespmem:v35+s15+$0x0], $0xffff;
	v16 =	vsub.f32 v16, v61;
	v17 =	vmul.f32 v17, v18  }
0xa6: {  	v42 =	vld.idx.msk [tilespmem:v36+s15+$0x0], $0xffff  }
0xa7: {  	v21 =	vld.idx.msk [tilespmem:v38+s15+$0x0], $0xffff;
	v16 =	vmul.f32 v20, v16;
	v43 =	vmul.f32 v23, v17  }
0xa8: {  	v44 =	vsel vm1, $0x5, v34;
	v22 =	vmul.f32 v22, v17  }
0xa9: {  	v17 =	vmul.f32 v16, v17;
	v24 =	vmul.f32 v39, v16;
	v20 =	vadd.f32 v43, v40  }
0xaa: {  	v23 =	vsel vm0, $0x6, v44;
	v16 =	vmul.f32 v41, v16;
	v22 =	vadd.f32 v22, v37  }
0xab: {  	v45 =	vand.u32 $0x77, v23;
	v46 =	vmul.f32 v42, v17;
	v20 =	vadd.f32 v24, v20  }
0xac: {  	v18 =	vor.u32 $0x8, v45;
	v17 =	vmul.f32 v21, v17;
	v16 =	vadd.f32 v16, v22  }
0xad: {  	v20 =	vadd.f32 v46, v20  }
0xae: {  	v48 =	vor.u32 $0x10, v32;
	v47 =	vshll.u32 v23, $0x3;
	v16 =	vadd.f32 v17, v16  }
0xaf: {  	v50 =	vor.u32 $0x18, v33;
	v49 =	vor.u32 v31, v47;
	[tilespmem:s22+$0x6000] =	vst v20  }
0xb0: {  	v51 =	vadd.s32 $0x40, v49;
	[tilespmem:s22+$0x4000] =	vst v16  }
0xb1: {  	v52 =	vadd.s32 $0x140, v49;
	v16 =	vld.idx.msk [tilespmem:v18+s14+$0x0], $0xffff  }
0xb2: {  	v23 =	vld.idx.msk [tilespmem:v23+s14+$0x0], $0xffff  }
0xb3: {  	v53 =	vor.u32 $0x180, v49;
	v22 =	vld.idx.msk [tilespmem:v48+s14+$0x0], $0xffff  }
0xb4: {  	v54 =	vor.u32 $0x100, v49;
	v21 =	vld.idx.msk [tilespmem:v50+s14+$0x0], $0xffff  }
0xb5: {  	v55 =	vor.u32 $0x80, v49;
	v20 =	vld.idx.msk [tilespmem:v51+s15+$0x0], $0xffff  }
0xb6: {  	v56 =	vadd.s32 $0x1C0, v49;
	v18 =	vld.idx.msk [tilespmem:v52+s15+$0x0], $0xffff  }
0xb7: {  	v17 =	vadd.s32 $0xC0, v49;
	v57 =	vld.idx.msk [tilespmem:v49+s15+$0x0], $0xffff  }
0xb8: {  	v58 =	vld.idx.msk [tilespmem:v53+s15+$0x0], $0xffff;
	v19 =	vsub.f32 v19, v23  }
0xb9: {  	v59 =	vld.idx.msk [tilespmem:v54+s15+$0x0], $0xffff  }
0xba: {  	v60 =	vld.idx.msk [tilespmem:v55+s15+$0x0], $0xffff;
	v15 =	vsub.f32 v15, v22;
	v16 =	vmul.f32 v16, v19  }
0xbb: {  	v61 =	vld.idx.msk [tilespmem:v56+s15+$0x0], $0xffff  }
0xbc: {  	v17 =	vld.idx.msk [tilespmem:v17+s15+$0x0], $0xffff;
	v15 =	vmul.f32 v21, v15;
	v18 =	vmul.f32 v18, v16  }
0xbd: {  	v20 =	vmul.f32 v20, v16  }
0xbe: {  	v16 =	vmul.f32 v15, v16;
	v21 =	vmul.f32 v58, v15;
	v18 =	vadd.f32 v18, v59  }
0xbf: {  	v15 =	vmul.f32 v60, v15;
	v20 =	vadd.f32 v20, v57  }
0xc0: {  	v62 =	vmul.f32 v61, v16;
	v18 =	vadd.f32 v21, v18  }
0xc1: {  	v16 =	vmul.f32 v17, v16;
	v15 =	vadd.f32 v15, v20  }
0xc2: {  	v63 =	vadd.f32 v62, v18  }
0xc3: {  	v15 =	vadd.f32 v16, v15  }
0xc4: {  	[tilespmem:s24+$0x6000] =	vst v63  }
0xc5: {  	s30 =	sadd.s32 s3, s21;
	[tilespmem:s24+$0x4000] =	vst v15  }
0xc6: {  	[hbm4b:s30+s5] =	stream.linear.scatter [tilespmem:s17], [sflag:$0x1], $0x2000, $0x38;
	[tilespmem:$0x8A80] =	vst v63  }
0xc7: {  	s20 =	sadd.s32 $0x1, s20;
	_ =	swait.ge [sflag:s13], $0x2000  }
0xc8: {  	p0 =	sne.s32 s20, $0x10;
	[sflag:s13] =	ssyncset.done $0x0  }
.Ltmp1:
0xc9: {  	s31 =	sadd.s32 s4, s21;
	[sflag:s13] =	ssyncadd.s32 $0xFFFFE000;
	(pc) =	sbr.rel @p0 .LBB2_2-.Ltmp1, $4  }
0xca: {  	[hbm4b:s31+s5] =	stream.linear.scatter [tilespmem:s18], [sflag:$0x1], $0x2000, $0x38;
	[tilespmem:$0x8A80] =	vst v63  }
0xcb: {  	_ =	swait.ge [sflag:s13], $0x2000  }
0xcc: {  	[sflag:s13] =	ssyncset.done $0x0  }
0xcd: {  	[sflag:s13] =	ssyncadd.s32 $0xFFFFE000  }
0xce: {  	s19 =	sadd.s32 $0x1, s19  }
0xcf: {  	p0 =	sne.s32 s19, s11  }
.Ltmp2:
0xd0: {  	_ = 	snop;
	(pc) =	sbr.rel @p0 .LBB2_1-.Ltmp2, $1  }
0xd1: {  	_ =	sdelay $0x3  }
0xd2: {  	_ =	sfence.sel $0x180000  }
0xd3: {  	[bflag:$0x0] =	sbarrier.arrive $0xFFFF  }
0xd4: {  	p0 =	sne.s32 s6, $0x0;
	_ =	strace $0x90000047  }
0xd5: {  	s0 =	sadd.s32 @!p0 $0x100000, s0;
	[bflag:$0x2] =	sbarrier.arrive $0xFFFF  }
0xd6: {  	[sflag:s0] =	ssyncadd.tile.s32 @!p0 $0x1;
	_ =	shalt  }
.Lfunc_end2:
_tile_overlayer_lowered:
.L_overlay_start_2:
0xd7: {  	(tag) =	ssettag $0x2  }
0xd8: {  	s0 =	rddreg [dreg:$0x0];
	s2 =	stileid.u32  }
0xd9: {  	s1 =	rddreg [dreg:$0x1];
	p0 =	sne.s32 s2, $0x0  }
0xda: {  	s3 =	rddreg [dreg:$0x2];
	[bflag:$0x3] =	sbarrier.arrive $0xFFFF;
	s2 =	simm.s32 @!p0 $0x1C01  }
0xdb: {  	[timem:s3], [sflag:s2] =	dma.local @!p0 [hbm:s0], s1  }
0xdc: {  	s0 =	simm.s32 @!p0 $0x1  }
0xdd: {  	_ =	swait.ge @!p0 [sflag:s0], s1  }
0xde: {  	s1 =	ssub.s32 @!p0 $0x0, s1;
	[sflag:s0] =	ssyncset.done @!p0 $0x0  }
0xdf: {  	[sflag:s0] =	ssyncadd.s32 @!p0 s1  }
0xe0: {  	[bflag:$0x3] =	sbarrier.arrive $0xFFFF  }
0xe1: {  	_ =	shalt  }

</sc_bundles>
